<compile_context>
chip_gen: v7x
topology: tpu7x:2x2x1
jax: 0.10.2.dev20260603
libtpu: 0.0.44.dev20260713+nightly
codegen_flags: <defaults>
</compile_context>

<pallas_src>
import functools

import jax
import jax.numpy as jnp
from jax import lax
from jax.experimental import pallas as pl
from jax.experimental.pallas import tpu as pltpu
from jax.experimental.pallas import tpu_sc as plsc

B = 16384
C = 1000
NBINS = 10
MINCLAMP = 0.01
MAXCLAMP = 100.0

NC = 2
NS = 16
L = 16
NW = NC * NS
RW = B // NW

EDGES = (0.0, 0.10000000149011612, 0.20000000298023224, 0.30000001192092896,
         0.4000000059604645, 0.5, 0.6000000238418579, 0.699999988079071,
         0.800000011920929, 0.9000000357627869, 1.0)

CBLK = 1024


def _rowmax_tc_body(p_ref, out_ref, mm_ref, z_ref, accn_ref, accx_ref):
    g = pl.program_id(0)
    x = p_ref[...]
    m = jnp.max(x, axis=0).reshape(CBLK // 128, 128)
    out_ref[...] = m
    z_ref[...] = jnp.zeros((C, CBLK), jnp.float32)

    @pl.when(g == 0)
    def _():
        accn_ref[...] = m
        accx_ref[...] = m

    @pl.when(g > 0)
    def _():
        accn_ref[...] = jnp.minimum(accn_ref[...], m)
        accx_ref[...] = jnp.maximum(accx_ref[...], m)

    @pl.when(g == pl.num_programs(0) - 1)
    def _():
        gmn = jnp.min(accn_ref[...])
        gmx = jnp.max(accx_ref[...])
        col = lax.broadcasted_iota(jnp.int32, (8, 128), 1)
        mm_ref[...] = jnp.where(col == 1, gmx, gmn)


def _rowmax_tc(probs_t):
    return pl.pallas_call(
        _rowmax_tc_body,
        grid=(B // CBLK,),
        in_specs=[pl.BlockSpec((C, CBLK), lambda g: (0, g))],
        out_specs=[
            pl.BlockSpec((CBLK // 128, 128), lambda g: (g, 0)),
            pl.BlockSpec((8, 128), lambda g: (0, 0)),
            pl.BlockSpec((C, CBLK), lambda g: (0, g)),
        ],
        out_shape=[
            jax.ShapeDtypeStruct((B // 128, 128), jnp.float32),
            jax.ShapeDtypeStruct((8, 128), jnp.float32),
            jax.ShapeDtypeStruct((C, B), jnp.float32),
        ],
        scratch_shapes=[
            pltpu.VMEM((CBLK // 128, 128), jnp.float32),
            pltpu.VMEM((CBLK // 128, 128), jnp.float32),
        ],
    )(probs_t)


@functools.partial(
    pl.kernel,
    out_type=jax.ShapeDtypeStruct((B,), jnp.float32),
    mesh=plsc.VectorSubcoreMesh(core_axis_name="c", subcore_axis_name="s",
                                num_cores=NC, num_subcores=NS),
    scratch_types=[
        pltpu.VMEM((RW,), jnp.float32),
        pltpu.VMEM((L,), jnp.float32),
        pltpu.VMEM((L,), jnp.float32),
        pltpu.VMEM((L,), jnp.float32),
        pltpu.VMEM((RW,), jnp.float32),
    ],
    compiler_params=pltpu.CompilerParams(needs_layout_passes=False),
)
def _calibrate_sc(maxes_hbm, mm_hbm, bp_hbm, out_hbm,
                  m_v, mm_v, bp_v, sc_v, out_v):
    wid = lax.axis_index("c") * NS + lax.axis_index("s")
    rbase = wid * RW

    pltpu.sync_copy(maxes_hbm.at[pl.ds(rbase, RW)], m_v)
    pltpu.sync_copy(mm_hbm.at[0, pl.ds(0, L)], mm_v)
    pltpu.sync_copy(bp_hbm, bp_v.at[pl.ds(0, NBINS)])

    mm = mm_v[:]
    gmn = mm[0]
    gmx = mm[1]
    denom_v = jnp.zeros((L,), jnp.float32) + (gmx - gmn + jnp.float32(1e-12))
    inv = jnp.full((L,), 1.0, jnp.float32) / denom_v

    bp = bp_v[:]
    sc_v[:] = jnp.float32(1.0) / jnp.clip(bp * bp, jnp.float32(MINCLAMP),
                                          jnp.float32(MAXCLAMP))

    def vec_body(k, carry):
        x = (m_v[pl.ds(k * L, L)] - gmn) * inv
        cnt = jnp.zeros((L,), jnp.int32)
        for e in EDGES:
            cnt = cnt + jnp.where(jnp.float32(e) < x, jnp.int32(1),
                                  jnp.int32(0))
        idx = jnp.clip(cnt - 1, 0, NBINS - 1)
        g = plsc.load_gather(sc_v, [idx])
        out_v[pl.ds(k * L, L)] = x * g
        return carry

    lax.fori_loop(0, RW // L, vec_body, 0)
    pltpu.sync_copy(out_v, out_hbm.at[pl.ds(rbase, RW)])


def kernel(probabilities, bin_params):
    maxes2d, mm2d, zeros_t = _rowmax_tc(probabilities.T)
    out = _calibrate_sc(maxes2d.reshape(B), mm2d, bin_params)
    calibrated = zeros_t.T
    return (out, calibrated)

# --- scband reference (transcript-rebuilt; emitter-appended) ---
"""Pipeline reference for scband-kgec-20796231647621 (READ-ONLY COPY).

The authoritative reference and input builder live on the scoring server;
editing this copy changes nothing except your own understanding.
"""

import jax, jax.numpy as jnp
import numpy as np

NUM_BINS = 10
MIN_CLAMP = 0.01
MAX_CLAMP = 100.0
BATCH = 16384
NUM_CLASSES = 1000


def _normalize(x):
    # min-max normalization to [0,1] (assumed semantics of the undefined
    # `normalize` helper in the original code; keeps values compatible with
    # bin edges linspace(0,1)).
    mn = jnp.min(x)
    mx = jnp.max(x)
    return (x - mn) / (mx - mn + 1e-12)


def setup_inputs(seed: int = 0) -> dict:
    key = jax.random.key(seed)
    k1, k2 = jax.random.split(key)
    probabilities = jax.random.uniform(k1, (BATCH, NUM_CLASSES), dtype=jnp.float32)
    # learned per-bin temperature parameters (nn.Parameter initialized to ones)
    bin_params = jnp.ones((NUM_BINS,), dtype=jnp.float32)
    return {"probabilities": probabilities, "bin_params": bin_params}


def reference(probabilities, bin_params):
    edges = jnp.linspace(0.0, 1.0, NUM_BINS + 1, dtype=jnp.float32)
    # torch.sort(dim=1, descending=True)
    sorted_probs = jnp.sort(probabilities, axis=1)[:, ::-1]
    calibrated_probabilities = jnp.zeros_like(probabilities)
    max_probs = sorted_probs[:, 0]
    max_probs = _normalize(max_probs)
    # torch.bucketize(x, edges) with right=False == searchsorted side='left'
    bin_indices = jnp.searchsorted(edges, max_probs, side="left") - 1
    bin_indices = jnp.clip(bin_indices, 0, NUM_BINS - 1)
    bin_values = jnp.take(bin_params, bin_indices, axis=0)
    # scaling: probs * 1 / clamp(temperature**2, min_clamp, max_clamp)
    output = max_probs * (1.0 / jnp.clip(bin_values ** 2, MIN_CLAMP, MAX_CLAMP))
    # if_predict=False -> calibrated_probabilities stays zeros
    return (output, calibrated_probabilities)

if __name__ == "__main__":
    import jax
    _d = setup_inputs()
    print(jax.jit(kernel)(*tuple(_d.values())))

</pallas_src>

<mosaic_0001>
#map = affine_map<(d0, d1) -> (0)>
#map1 = affine_map<(d0, d1) -> (0, 0)>
module attributes {stable_mosaic.version = 14 : i64} {
  func.func @_calibrate_sc(%arg0: i32, %arg1: i32, %arg2: memref<16384xf32, #tpu.memory_space<hbm>>, %arg3: memref<8x128xf32, #tpu.memory_space<hbm>>, %arg4: memref<10xf32, #tpu.memory_space<hbm>>, %arg5: memref<16384xf32, #tpu.memory_space<hbm>>, %arg6: memref<512xf32, #tpu.memory_space<vmem>>, %arg7: memref<16xf32, #tpu.memory_space<vmem>>, %arg8: memref<16xf32, #tpu.memory_space<vmem>>, %arg9: memref<16xf32, #tpu.memory_space<vmem>>, %arg10: memref<512xf32, #tpu.memory_space<vmem>>) attributes {dimension_semantics = [#tpu.dimension_semantics<core_parallel>, #tpu.dimension_semantics<subcore_parallel>], iteration_bounds = array<i64: 2, 16>, scalar_prefetch = 0 : i64, scratch_operands = 5 : i64, tpu.core_type = #tpu.core_type<sc_vector_subcore>, window_params = [{transform_indices = #map}, {transform_indices = #map1}, {transform_indices = #map}, {transform_indices = #map}]} {
    %mul3A = arith.constant 16 : i32
    %mul3A_0 = arith.muli %arg0, %mul3A : i32
    %add3A = arith.addi %mul3A_0, %arg1 : i32
    %mul3A_1 = arith.constant 512 : i32
    %mul3A_2 = arith.muli %add3A, %mul3A_1 : i32
    "tpu.region"() ({
      %run_scoped3A_28 = tpu.sem_alloc : memref<!tpu.dma_semaphore, #tpu.memory_space<semaphore_mem>>
      %dma_start3A = tpu.memref_slice %arg2[%mul3A_2] : memref<16384xf32, #tpu.memory_space<hbm>> -> memref<512xf32, #tpu.memory_space<hbm>>
      %dma_start3A_29 = tpu.memref_slice %arg2[%mul3A_2] : memref<16384xf32, #tpu.memory_space<hbm>> -> memref<512xf32, #tpu.memory_space<hbm>>
      tpu.enqueue_dma source(%dma_start3A_29 : memref<512xf32, #tpu.memory_space<hbm>>) target(%arg6 : memref<512xf32, #tpu.memory_space<vmem>>) target_semaphore(%run_scoped3A_28 : memref<!tpu.dma_semaphore, #tpu.memory_space<semaphore_mem>>)
      %dma_wait3A = tpu.memref_slice %arg2[%mul3A_2] : memref<16384xf32, #tpu.memory_space<hbm>> -> memref<512xf32, #tpu.memory_space<hbm>>
      %dma_wait3A_30 = tpu.memref_slice %arg2[%mul3A_2] : memref<16384xf32, #tpu.memory_space<hbm>> -> memref<512xf32, #tpu.memory_space<hbm>>
      tpu.wait_dma2 semaphore(%run_scoped3A_28 : memref<!tpu.dma_semaphore, #tpu.memory_space<semaphore_mem>>) src(%dma_wait3A_30 : memref<512xf32, #tpu.memory_space<hbm>>) dst(%arg6 : memref<512xf32, #tpu.memory_space<vmem>>)
      tpu.yield
    }) : () -> ()
    %run_scoped3A = arith.constant 0 : i32
    "tpu.region"() ({
      %run_scoped3A_28 = tpu.sem_alloc : memref<!tpu.dma_semaphore, #tpu.memory_space<semaphore_mem>>
      %dma_start3A = arith.constant 0 : i32
      %dma_start3A_29 = tpu.memref_slice %arg3[%run_scoped3A, %dma_start3A] : memref<8x128xf32, #tpu.memory_space<hbm>> -> memref<1x16xf32, #tpu.memory_space<hbm>>
      %dma_start3A_30 = tpu.memref_squeeze %dma_start3A_29 : memref<1x16xf32, #tpu.memory_space<hbm>> -> memref<16xf32, #tpu.memory_space<hbm>>
      %dma_start3A_31 = arith.constant 0 : i32
      %dma_start3A_32 = tpu.memref_slice %arg3[%run_scoped3A, %dma_start3A_31] : memref<8x128xf32, #tpu.memory_space<hbm>> -> memref<1x16xf32, #tpu.memory_space<hbm>>
      %dma_start3A_33 = tpu.memref_squeeze %dma_start3A_32 : memref<1x16xf32, #tpu.memory_space<hbm>> -> memref<16xf32, #tpu.memory_space<hbm>>
      tpu.enqueue_dma source(%dma_start3A_33 : memref<16xf32, #tpu.memory_space<hbm>>) target(%arg7 : memref<16xf32, #tpu.memory_space<vmem>>) target_semaphore(%run_scoped3A_28 : memref<!tpu.dma_semaphore, #tpu.memory_space<semaphore_mem>>)
      %dma_wait3A = arith.constant 0 : i32
      %dma_wait3A_34 = tpu.memref_slice %arg3[%run_scoped3A, %dma_wait3A] : memref<8x128xf32, #tpu.memory_space<hbm>> -> memref<1x16xf32, #tpu.memory_space<hbm>>
      %dma_wait3A_35 = tpu.memref_squeeze %dma_wait3A_34 : memref<1x16xf32, #tpu.memory_space<hbm>> -> memref<16xf32, #tpu.memory_space<hbm>>
      %dma_wait3A_36 = arith.constant 0 : i32
      %dma_wait3A_37 = tpu.memref_slice %arg3[%run_scoped3A, %dma_wait3A_36] : memref<8x128xf32, #tpu.memory_space<hbm>> -> memref<1x16xf32, #tpu.memory_space<hbm>>
      %dma_wait3A_38 = tpu.memref_squeeze %dma_wait3A_37 : memref<1x16xf32, #tpu.memory_space<hbm>> -> memref<16xf32, #tpu.memory_space<hbm>>
      tpu.wait_dma2 semaphore(%run_scoped3A_28 : memref<!tpu.dma_semaphore, #tpu.memory_space<semaphore_mem>>) src(%dma_wait3A_38 : memref<16xf32, #tpu.memory_space<hbm>>) dst(%arg7 : memref<16xf32, #tpu.memory_space<vmem>>)
      tpu.yield
    }) : () -> ()
    "tpu.region"() ({
      %run_scoped3A_28 = tpu.sem_alloc : memref<!tpu.dma_semaphore, #tpu.memory_space<semaphore_mem>>
      %dma_start3A = arith.constant 0 : i32
      %dma_start3A_29 = tpu.memref_slice %arg8[%dma_start3A] : memref<16xf32, #tpu.memory_space<vmem>> -> memref<10xf32, #tpu.memory_space<vmem>>
      %dma_start3A_30 = arith.constant 0 : i32
      %dma_start3A_31 = tpu.memref_slice %arg8[%dma_start3A_30] : memref<16xf32, #tpu.memory_space<vmem>> -> memref<10xf32, #tpu.memory_space<vmem>>
      tpu.enqueue_dma source(%arg4 : memref<10xf32, #tpu.memory_space<hbm>>) target(%dma_start3A_31 : memref<10xf32, #tpu.memory_space<vmem>>) target_semaphore(%run_scoped3A_28 : memref<!tpu.dma_semaphore, #tpu.memory_space<semaphore_mem>>)
      %dma_wait3A = arith.constant 0 : i32
      %dma_wait3A_32 = tpu.memref_slice %arg8[%dma_wait3A] : memref<16xf32, #tpu.memory_space<vmem>> -> memref<10xf32, #tpu.memory_space<vmem>>
      %dma_wait3A_33 = arith.constant 0 : i32
      %dma_wait3A_34 = tpu.memref_slice %arg8[%dma_wait3A_33] : memref<16xf32, #tpu.memory_space<vmem>> -> memref<10xf32, #tpu.memory_space<vmem>>
      tpu.wait_dma2 semaphore(%run_scoped3A_28 : memref<!tpu.dma_semaphore, #tpu.memory_space<semaphore_mem>>) src(%arg4 : memref<10xf32, #tpu.memory_space<hbm>>) dst(%dma_wait3A_34 : memref<10xf32, #tpu.memory_space<vmem>>)
      tpu.yield
    }) : () -> ()
    %get3A = arith.constant 0 : index
    %get3A_3 = tpu.vector_load %arg7[%get3A] {strides = array<i32>} : memref<16xf32, #tpu.memory_space<vmem>>, vector<16xf32>,
    %slice3A = vector.extract_strided_slice %get3A_3 {offsets = [0], sizes = [1], strides = [1]} : vector<16xf32> to vector<1xf32>
    %squeeze3A = vector.extract %slice3A[0] : f32 from vector<1xf32>
    %slice3A_4 = vector.extract_strided_slice %get3A_3 {offsets = [1], sizes = [1], strides = [1]} : vector<16xf32> to vector<1xf32>
    %squeeze3A_5 = vector.extract %slice3A_4[0] : f32 from vector<1xf32>
    %broadcast_in_dim3A = arith.constant 0.000000e+00 : f32
    %broadcast_in_dim3A_6 = vector.broadcast %broadcast_in_dim3A : f32 to vector<16xf32>
    %sub3A = arith.subf %squeeze3A_5, %squeeze3A : f32
    %add3A_7 = arith.constant 9.99999996E-13 : f32
    %add3A_8 = arith.addf %sub3A, %add3A_7 : f32
    %add3A_9 = vector.broadcast %add3A_8 : f32 to vector<16xf32>
    %add3A_10 = arith.addf %broadcast_in_dim3A_6, %add3A_9 : vector<16xf32>
    %broadcast_in_dim3A_11 = arith.constant 1.000000e+00 : f32
    %broadcast_in_dim3A_12 = vector.broadcast %broadcast_in_dim3A_11 : f32 to vector<16xf32>
    %div3A = arith.divf %broadcast_in_dim3A_12, %add3A_10 : vector<16xf32>
    %get3A_13 = arith.constant 0 : index
    %get3A_14 = tpu.vector_load %arg8[%get3A_13] {strides = array<i32>} : memref<16xf32, #tpu.memory_space<vmem>>, vector<16xf32>,
    %mul3A_15 = arith.mulf %get3A_14, %get3A_14 : vector<16xf32>
    %jit3A = arith.constant 0.00999999977 : f32
    %jit3A_16 = arith.constant 1.000000e+02 : f32
    %max3A = vector.broadcast %jit3A : f32 to vector<16xf32>
    %max3A_17 = arith.maximumf %max3A, %mul3A_15 : vector<16xf32>
    %min3A = vector.broadcast %jit3A_16 : f32 to vector<16xf32>
    %min3A_18 = arith.minimumf %min3A, %max3A_17 : vector<16xf32>
    %div3A_19 = arith.constant 1.000000e+00 : f32
    %div3A_20 = vector.broadcast %div3A_19 : f32 to vector<16xf32>
    %div3A_21 = arith.divf %div3A_20, %min3A_18 : vector<16xf32>
    %swap3A = arith.constant 0 : index
    %swap3A_22 = tpu.vector_load %arg9[%swap3A] {strides = array<i32>} : memref<16xf32, #tpu.memory_space<vmem>>, vector<16xf32>,
    tpu.vector_store %arg9[%swap3A], %div3A_21 {strides = array<i32>} : memref<16xf32, #tpu.memory_space<vmem>>, vector<16xf32>,
    %scan3A = arith.constant 0 : i32
    %scan3A_23 = arith.constant 0 : i32
    %scan3A_24 = arith.constant 32 : i32
    %scan3A_25 = arith.addi %scan3A_23, %scan3A_24 : i32
    %scan3A_26 = arith.constant 1 : i32
    scf.for %scan3A_28 = %scan3A_23 to %scan3A_25 step %scan3A_26  : i32 {
      %mul3A_29 = arith.constant 16 : i32
      %mul3A_30 = arith.muli %scan3A_28, %mul3A_29 : i32
      %get3A_31 = arith.index_cast %mul3A_30 : i32 to index
      %get3A_32 = tpu.vector_load %arg6[%get3A_31] {strides = array<i32>} : memref<512xf32, #tpu.memory_space<vmem>>, vector<16xf32>,
      %sub3A_33 = vector.broadcast %squeeze3A : f32 to vector<16xf32>
      %sub3A_34 = arith.subf %get3A_32, %sub3A_33 : vector<16xf32>
      %mul3A_35 = arith.mulf %sub3A_34, %div3A : vector<16xf32>
      %broadcast_in_dim3A_36 = arith.constant 0 : i32
      %broadcast_in_dim3A_37 = vector.broadcast %broadcast_in_dim3A_36 : i32 to vector<16xi32>
      %lt3A = arith.constant 0.000000e+00 : f32
      %lt3A_38 = vector.broadcast %lt3A : f32 to vector<16xf32>
      %lt3A_39 = arith.cmpf olt, %lt3A_38, %mul3A_35 : vector<16xf32>
      %jit3A_40 = arith.constant 1 : i32
      %jit3A_41 = arith.constant 0 : i32
      %broadcast_in_dim3A_42 = vector.broadcast %jit3A_40 : i32 to vector<16xi32>
      %broadcast_in_dim3A_43 = vector.broadcast %jit3A_41 : i32 to vector<16xi32>
      %select_n3A = arith.select %lt3A_39, %broadcast_in_dim3A_42, %broadcast_in_dim3A_43 : vector<16xi1>, vector<16xi32>
      %add3A_44 = arith.addi %broadcast_in_dim3A_37, %select_n3A : vector<16xi32>
      %lt3A_45 = arith.constant 1.000000e-01 : f32
      %lt3A_46 = vector.broadcast %lt3A_45 : f32 to vector<16xf32>
      %lt3A_47 = arith.cmpf olt, %lt3A_46, %mul3A_35 : vector<16xf32>
      %jit3A_48 = arith.constant 1 : i32
      %jit3A_49 = arith.constant 0 : i32
      %broadcast_in_dim3A_50 = vector.broadcast %jit3A_48 : i32 to vector<16xi32>
      %broadcast_in_dim3A_51 = vector.broadcast %jit3A_49 : i32 to vector<16xi32>
      %select_n3A_52 = arith.select %lt3A_47, %broadcast_in_dim3A_50, %broadcast_in_dim3A_51 : vector<16xi1>, vector<16xi32>
      %add3A_53 = arith.addi %add3A_44, %select_n3A_52 : vector<16xi32>
      %lt3A_54 = arith.constant 2.000000e-01 : f32
      %lt3A_55 = vector.broadcast %lt3A_54 : f32 to vector<16xf32>
      %lt3A_56 = arith.cmpf olt, %lt3A_55, %mul3A_35 : vector<16xf32>
      %jit3A_57 = arith.constant 1 : i32
      %jit3A_58 = arith.constant 0 : i32
      %broadcast_in_dim3A_59 = vector.broadcast %jit3A_57 : i32 to vector<16xi32>
      %broadcast_in_dim3A_60 = vector.broadcast %jit3A_58 : i32 to vector<16xi32>
      %select_n3A_61 = arith.select %lt3A_56, %broadcast_in_dim3A_59, %broadcast_in_dim3A_60 : vector<16xi1>, vector<16xi32>
      %add3A_62 = arith.addi %add3A_53, %select_n3A_61 : vector<16xi32>
      %lt3A_63 = arith.constant 3.000000e-01 : f32
      %lt3A_64 = vector.broadcast %lt3A_63 : f32 to vector<16xf32>
      %lt3A_65 = arith.cmpf olt, %lt3A_64, %mul3A_35 : vector<16xf32>
      %jit3A_66 = arith.constant 1 : i32
      %jit3A_67 = arith.constant 0 : i32
      %broadcast_in_dim3A_68 = vector.broadcast %jit3A_66 : i32 to vector<16xi32>
      %broadcast_in_dim3A_69 = vector.broadcast %jit3A_67 : i32 to vector<16xi32>
      %select_n3A_70 = arith.select %lt3A_65, %broadcast_in_dim3A_68, %broadcast_in_dim3A_69 : vector<16xi1>, vector<16xi32>
      %add3A_71 = arith.addi %add3A_62, %select_n3A_70 : vector<16xi32>
      %lt3A_72 = arith.constant 4.000000e-01 : f32
      %lt3A_73 = vector.broadcast %lt3A_72 : f32 to vector<16xf32>
      %lt3A_74 = arith.cmpf olt, %lt3A_73, %mul3A_35 : vector<16xf32>
      %jit3A_75 = arith.constant 1 : i32
      %jit3A_76 = arith.constant 0 : i32
      %broadcast_in_dim3A_77 = vector.broadcast %jit3A_75 : i32 to vector<16xi32>
      %broadcast_in_dim3A_78 = vector.broadcast %jit3A_76 : i32 to vector<16xi32>
      %select_n3A_79 = arith.select %lt3A_74, %broadcast_in_dim3A_77, %broadcast_in_dim3A_78 : vector<16xi1>, vector<16xi32>
      %add3A_80 = arith.addi %add3A_71, %select_n3A_79 : vector<16xi32>
      %lt3A_81 = arith.constant 5.000000e-01 : f32
      %lt3A_82 = vector.broadcast %lt3A_81 : f32 to vector<16xf32>
      %lt3A_83 = arith.cmpf olt, %lt3A_82, %mul3A_35 : vector<16xf32>
      %jit3A_84 = arith.constant 1 : i32
      %jit3A_85 = arith.constant 0 : i32
      %broadcast_in_dim3A_86 = vector.broadcast %jit3A_84 : i32 to vector<16xi32>
      %broadcast_in_dim3A_87 = vector.broadcast %jit3A_85 : i32 to vector<16xi32>
      %select_n3A_88 = arith.select %lt3A_83, %broadcast_in_dim3A_86, %broadcast_in_dim3A_87 : vector<16xi1>, vector<16xi32>
      %add3A_89 = arith.addi %add3A_80, %select_n3A_88 : vector<16xi32>
      %lt3A_90 = arith.constant 6.000000e-01 : f32
      %lt3A_91 = vector.broadcast %lt3A_90 : f32 to vector<16xf32>
      %lt3A_92 = arith.cmpf olt, %lt3A_91, %mul3A_35 : vector<16xf32>
      %jit3A_93 = arith.constant 1 : i32
      %jit3A_94 = arith.constant 0 : i32
      %broadcast_in_dim3A_95 = vector.broadcast %jit3A_93 : i32 to vector<16xi32>
      %broadcast_in_dim3A_96 = vector.broadcast %jit3A_94 : i32 to vector<16xi32>
      %select_n3A_97 = arith.select %lt3A_92, %broadcast_in_dim3A_95, %broadcast_in_dim3A_96 : vector<16xi1>, vector<16xi32>
      %add3A_98 = arith.addi %add3A_89, %select_n3A_97 : vector<16xi32>
      %lt3A_99 = arith.constant 0.699999988 : f32
      %lt3A_100 = vector.broadcast %lt3A_99 : f32 to vector<16xf32>
      %lt3A_101 = arith.cmpf olt, %lt3A_100, %mul3A_35 : vector<16xf32>
      %jit3A_102 = arith.constant 1 : i32
      %jit3A_103 = arith.constant 0 : i32
      %broadcast_in_dim3A_104 = vector.broadcast %jit3A_102 : i32 to vector<16xi32>
      %broadcast_in_dim3A_105 = vector.broadcast %jit3A_103 : i32 to vector<16xi32>
      %select_n3A_106 = arith.select %lt3A_101, %broadcast_in_dim3A_104, %broadcast_in_dim3A_105 : vector<16xi1>, vector<16xi32>
      %add3A_107 = arith.addi %add3A_98, %select_n3A_106 : vector<16xi32>
      %lt3A_108 = arith.constant 8.000000e-01 : f32
      %lt3A_109 = vector.broadcast %lt3A_108 : f32 to vector<16xf32>
      %lt3A_110 = arith.cmpf olt, %lt3A_109, %mul3A_35 : vector<16xf32>
      %jit3A_111 = arith.constant 1 : i32
      %jit3A_112 = arith.constant 0 : i32
      %broadcast_in_dim3A_113 = vector.broadcast %jit3A_111 : i32 to vector<16xi32>
      %broadcast_in_dim3A_114 = vector.broadcast %jit3A_112 : i32 to vector<16xi32>
      %select_n3A_115 = arith.select %lt3A_110, %broadcast_in_dim3A_113, %broadcast_in_dim3A_114 : vector<16xi1>, vector<16xi32>
      %add3A_116 = arith.addi %add3A_107, %select_n3A_115 : vector<16xi32>
      %lt3A_117 = arith.constant 0.900000035 : f32
      %lt3A_118 = vector.broadcast %lt3A_117 : f32 to vector<16xf32>
      %lt3A_119 = arith.cmpf olt, %lt3A_118, %mul3A_35 : vector<16xf32>
      %jit3A_120 = arith.constant 1 : i32
      %jit3A_121 = arith.constant 0 : i32
      %broadcast_in_dim3A_122 = vector.broadcast %jit3A_120 : i32 to vector<16xi32>
      %broadcast_in_dim3A_123 = vector.broadcast %jit3A_121 : i32 to vector<16xi32>
      %select_n3A_124 = arith.select %lt3A_119, %broadcast_in_dim3A_122, %broadcast_in_dim3A_123 : vector<16xi1>, vector<16xi32>
      %add3A_125 = arith.addi %add3A_116, %select_n3A_124 : vector<16xi32>
      %lt3A_126 = arith.constant 1.000000e+00 : f32
      %lt3A_127 = vector.broadcast %lt3A_126 : f32 to vector<16xf32>
      %lt3A_128 = arith.cmpf olt, %lt3A_127, %mul3A_35 : vector<16xf32>
      %jit3A_129 = arith.constant 1 : i32
      %jit3A_130 = arith.constant 0 : i32
      %broadcast_in_dim3A_131 = vector.broadcast %jit3A_129 : i32 to vector<16xi32>
      %broadcast_in_dim3A_132 = vector.broadcast %jit3A_130 : i32 to vector<16xi32>
      %select_n3A_133 = arith.select %lt3A_128, %broadcast_in_dim3A_131, %broadcast_in_dim3A_132 : vector<16xi1>, vector<16xi32>
      %add3A_134 = arith.addi %add3A_125, %select_n3A_133 : vector<16xi32>
      %sub3A_135 = arith.constant 1 : i32
      %sub3A_136 = vector.broadcast %sub3A_135 : i32 to vector<16xi32>
      %sub3A_137 = arith.subi %add3A_134, %sub3A_136 : vector<16xi32>
      %jit3A_138 = arith.constant 0 : i32
      %jit3A_139 = arith.constant 9 : i32
      %max3A_140 = vector.broadcast %jit3A_138 : i32 to vector<16xi32>
      %max3A_141 = arith.maxsi %max3A_140, %sub3A_137 : vector<16xi32>
      %min3A_142 = vector.broadcast %jit3A_139 : i32 to vector<16xi32>
      %min3A_143 = arith.minsi %min3A_142, %max3A_141 : vector<16xi32>
      %gather3A = tpu.vector_load_idx %arg9[%min3A_143] : memref<16xf32, #tpu.memory_space<vmem>>[vector<16xi32>], vector<16xf32>,
      %mul3A_144 = arith.mulf %mul3A_35, %gather3A : vector<16xf32>
      %mul3A_145 = arith.constant 16 : i32
      %mul3A_146 = arith.muli %scan3A_28, %mul3A_145 : i32
      %swap3A_147 = arith.index_cast %mul3A_146 : i32 to index
      %swap3A_148 = tpu.vector_load %arg10[%swap3A_147] {strides = array<i32>} : memref<512xf32, #tpu.memory_space<vmem>>, vector<16xf32>,
      tpu.vector_store %arg10[%swap3A_147], %mul3A_144 {strides = array<i32>} : memref<512xf32, #tpu.memory_space<vmem>>, vector<16xf32>,
    }
    %scan3A_27 = arith.constant 32 : i32
    "tpu.region"() ({
      %run_scoped3A_28 = tpu.sem_alloc : memref<!tpu.dma_semaphore, #tpu.memory_space<semaphore_mem>>
      %dma_start3A = tpu.memref_slice %arg5[%mul3A_2] : memref<16384xf32, #tpu.memory_space<hbm>> -> memref<512xf32, #tpu.memory_space<hbm>>
      %dma_start3A_29 = tpu.memref_slice %arg5[%mul3A_2] : memref<16384xf32, #tpu.memory_space<hbm>> -> memref<512xf32, #tpu.memory_space<hbm>>
      tpu.enqueue_dma source(%arg10 : memref<512xf32, #tpu.memory_space<vmem>>) target(%dma_start3A_29 : memref<512xf32, #tpu.memory_space<hbm>>) target_semaphore(%run_scoped3A_28 : memref<!tpu.dma_semaphore, #tpu.memory_space<semaphore_mem>>)
      %dma_wait3A = tpu.memref_slice %arg5[%mul3A_2] : memref<16384xf32, #tpu.memory_space<hbm>> -> memref<512xf32, #tpu.memory_space<hbm>>
      %dma_wait3A_30 = tpu.memref_slice %arg5[%mul3A_2] : memref<16384xf32, #tpu.memory_space<hbm>> -> memref<512xf32, #tpu.memory_space<hbm>>
      tpu.wait_dma2 semaphore(%run_scoped3A_28 : memref<!tpu.dma_semaphore, #tpu.memory_space<semaphore_mem>>) src(%arg10 : memref<512xf32, #tpu.memory_space<vmem>>) dst(%dma_wait3A_30 : memref<512xf32, #tpu.memory_space<hbm>>)
      tpu.yield
    }) : () -> ()
    return
  }
}

module attributes {stable_mosaic.version = 14 : i64} {
  func.func @_rowmax_tc_body(%arg0: i32, %arg1: memref<1000x1024xf32, #tpu.memory_space<vmem>>, %arg2: memref<8x128xf32, #tpu.memory_space<vmem>>, %arg3: memref<8x128xf32, #tpu.memory_space<vmem>>, %arg4: memref<1000x1024xf32, #tpu.memory_space<vmem>>, %arg5: memref<8x128xf32, #tpu.memory_space<vmem>>, %arg6: memref<8x128xf32, #tpu.memory_space<vmem>>) attributes {dimension_semantics = [#tpu.dimension_semantics<arbitrary>], iteration_bounds = array<i64: 16>, scalar_prefetch = 0 : i64, scratch_operands = 2 : i64, tpu.core_type = #tpu.core_type<tc>, window_params = [{transform_indices = @transform_0, window_bounds = array<i64: 1000, 1024>}, {transform_indices = @transform_1, window_bounds = array<i64: 8, 128>}, {pipeline_mode = #tpu.pipeline_mode<synchronous>, transform_indices = @transform_2, window_bounds = array<i64: 8, 128>}, {transform_indices = @transform_3, window_bounds = array<i64: 1000, 1024>}]} {
    %get3A = arith.constant 0 : index
    %get3A_0 = arith.constant 0 : index
    %get3A_1 = vector.load %arg1[%get3A, %get3A_0] : memref<1000x1024xf32, #tpu.memory_space<vmem>>, vector<1000x1024xf32>
    %reduce_max3A = arith.constant dense<0xFF800000> : vector<1024xf32>
    %reduce_max3A_2 = vector.multi_reduction <maximumf>, %get3A_1, %reduce_max3A [0] : vector<1000x1024xf32> to vector<1024xf32>
    %reshape3A = vector.shape_cast %reduce_max3A_2 : vector<1024xf32> to vector<8x128xf32>
    %swap3A = arith.constant 0 : index
    %swap3A_3 = arith.constant 0 : index
    %swap3A_4 = vector.load %arg2[%swap3A, %swap3A_3] : memref<8x128xf32, #tpu.memory_space<vmem>>, vector<8x128xf32>
    tpu.vector_store %arg2[%swap3A, %swap3A_3], %reshape3A {strides = array<i32>} : memref<8x128xf32, #tpu.memory_space<vmem>>, vector<8x128xf32>,
    %broadcast_in_dim3A = arith.constant 0.000000e+00 : f32
    %broadcast_in_dim3A_5 = vector.broadcast %broadcast_in_dim3A : f32 to vector<1000x1024xf32>
    %swap3A_6 = arith.constant 0 : index
    %swap3A_7 = arith.constant 0 : index
    %swap3A_8 = vector.load %arg4[%swap3A_6, %swap3A_7] : memref<1000x1024xf32, #tpu.memory_space<vmem>>, vector<1000x1024xf32>
    tpu.vector_store %arg4[%swap3A_6, %swap3A_7], %broadcast_in_dim3A_5 {strides = array<i32>} : memref<1000x1024xf32, #tpu.memory_space<vmem>>, vector<1000x1024xf32>,
    %eq3A = arith.constant 0 : i32
    %eq3A_9 = arith.cmpi eq, %arg0, %eq3A : i32
    %convert_element_type3A = arith.extui %eq3A_9 : i1 to i32
    %cond3A = arith.constant 0 : i32
    %cond3A_10 = arith.cmpi ne, %convert_element_type3A, %cond3A : i32
    scf.if %cond3A_10 {
      %swap3A_20 = arith.constant 0 : index
      %swap3A_21 = arith.constant 0 : index
      %swap3A_22 = vector.load %arg5[%swap3A_20, %swap3A_21] : memref<8x128xf32, #tpu.memory_space<vmem>>, vector<8x128xf32>
      tpu.vector_store %arg5[%swap3A_20, %swap3A_21], %reshape3A {strides = array<i32>} : memref<8x128xf32, #tpu.memory_space<vmem>>, vector<8x128xf32>,
      %swap3A_23 = arith.constant 0 : index
      %swap3A_24 = arith.constant 0 : index
      %swap3A_25 = vector.load %arg6[%swap3A_23, %swap3A_24] : memref<8x128xf32, #tpu.memory_space<vmem>>, vector<8x128xf32>
      tpu.vector_store %arg6[%swap3A_23, %swap3A_24], %reshape3A {strides = array<i32>} : memref<8x128xf32, #tpu.memory_space<vmem>>, vector<8x128xf32>,
    } else {
    }
    %gt3A = arith.constant 0 : i32
    %gt3A_11 = arith.cmpi sgt, %arg0, %gt3A : i32
    %convert_element_type3A_12 = arith.extui %gt3A_11 : i1 to i32
    %cond3A_13 = arith.constant 0 : i32
    %cond3A_14 = arith.cmpi ne, %convert_element_type3A_12, %cond3A_13 : i32
    scf.if %cond3A_14 {
      %get3A_20 = arith.constant 0 : index
      %get3A_21 = arith.constant 0 : index
      %get3A_22 = vector.load %arg5[%get3A_20, %get3A_21] : memref<8x128xf32, #tpu.memory_space<vmem>>, vector<8x128xf32>
      %min3A = arith.minimumf %get3A_22, %reshape3A : vector<8x128xf32>
      %swap3A_23 = arith.constant 0 : index
      %swap3A_24 = arith.constant 0 : index
      %swap3A_25 = vector.load %arg5[%swap3A_23, %swap3A_24] : memref<8x128xf32, #tpu.memory_space<vmem>>, vector<8x128xf32>
      tpu.vector_store %arg5[%swap3A_23, %swap3A_24], %min3A {strides = array<i32>} : memref<8x128xf32, #tpu.memory_space<vmem>>, vector<8x128xf32>,
      %get3A_26 = arith.constant 0 : index
      %get3A_27 = arith.constant 0 : index
      %get3A_28 = vector.load %arg6[%get3A_26, %get3A_27] : memref<8x128xf32, #tpu.memory_space<vmem>>, vector<8x128xf32>
      %max3A = arith.maximumf %get3A_28, %reshape3A : vector<8x128xf32>
      %swap3A_29 = arith.constant 0 : index
      %swap3A_30 = arith.constant 0 : index
      %swap3A_31 = vector.load %arg6[%swap3A_29, %swap3A_30] : memref<8x128xf32, #tpu.memory_space<vmem>>, vector<8x128xf32>
      tpu.vector_store %arg6[%swap3A_29, %swap3A_30], %max3A {strides = array<i32>} : memref<8x128xf32, #tpu.memory_space<vmem>>, vector<8x128xf32>,
    } else {
    }
    %eq3A_15 = arith.constant 15 : i32
    %eq3A_16 = arith.cmpi eq, %arg0, %eq3A_15 : i32
    %convert_element_type3A_17 = arith.extui %eq3A_16 : i1 to i32
    %cond3A_18 = arith.constant 0 : i32
    %cond3A_19 = arith.cmpi ne, %convert_element_type3A_17, %cond3A_18 : i32
    scf.if %cond3A_19 {
      %get3A_20 = arith.constant 0 : index
      %get3A_21 = arith.constant 0 : index
      %get3A_22 = vector.load %arg5[%get3A_20, %get3A_21] : memref<8x128xf32, #tpu.memory_space<vmem>>, vector<8x128xf32>
      %reduce_min3A = vector.shape_cast %get3A_22 : vector<8x128xf32> to vector<1x8x128xf32>
      %reduce_min3A_23 = arith.constant dense<0x7F800000> : vector<1xf32>
      %reduce_min3A_24 = vector.multi_reduction <minimumf>, %reduce_min3A, %reduce_min3A_23 [1, 2] : vector<1x8x128xf32> to vector<1xf32>
      %reduce_min3A_25 = vector.shape_cast %reduce_min3A_24 : vector<1xf32> to vector<1x1x1xf32>
      %reduce_min3A_26 = vector.extract %reduce_min3A_25[0, 0, 0] : f32 from vector<1x1x1xf32>
      %get3A_27 = arith.constant 0 : index
      %get3A_28 = arith.constant 0 : index
      %get3A_29 = vector.load %arg6[%get3A_27, %get3A_28] : memref<8x128xf32, #tpu.memory_space<vmem>>, vector<8x128xf32>
      %reduce_max3A_30 = vector.shape_cast %get3A_29 : vector<8x128xf32> to vector<1x8x128xf32>
      %reduce_max3A_31 = arith.constant dense<0xFF800000> : vector<1xf32>
      %reduce_max3A_32 = vector.multi_reduction <maximumf>, %reduce_max3A_30, %reduce_max3A_31 [1, 2] : vector<1x8x128xf32> to vector<1xf32>
      %reduce_max3A_33 = vector.shape_cast %reduce_max3A_32 : vector<1xf32> to vector<1x1x1xf32>
      %reduce_max3A_34 = vector.extract %reduce_max3A_33[0, 0, 0] : f32 from vector<1x1x1xf32>
      %iota3A = tpu.iota {dimensions = array<i32: 1>} : vector<8x128xi32>
      %eq3A_35 = arith.constant 1 : i32
      %eq3A_36 = vector.broadcast %eq3A_35 : i32 to vector<8x128xi32>
      %eq3A_37 = arith.cmpi eq, %iota3A, %eq3A_36 : vector<8x128xi32>
      %broadcast_in_dim3A_38 = vector.broadcast %reduce_max3A_34 : f32 to vector<8x128xf32>
      %broadcast_in_dim3A_39 = vector.broadcast %reduce_min3A_26 : f32 to vector<8x128xf32>
      %select_n3A = arith.select %eq3A_37, %broadcast_in_dim3A_38, %broadcast_in_dim3A_39 : vector<8x128xi1>, vector<8x128xf32>
      %swap3A_40 = arith.constant 0 : index
      %swap3A_41 = arith.constant 0 : index
      %swap3A_42 = vector.load %arg3[%swap3A_40, %swap3A_41] : memref<8x128xf32, #tpu.memory_space<vmem>>, vector<8x128xf32>
      tpu.vector_store %arg3[%swap3A_40, %swap3A_41], %select_n3A {strides = array<i32>} : memref<8x128xf32, #tpu.memory_space<vmem>>, vector<8x128xf32>,
    } else {
    }
    return
  }
  func.func @transform_0(%arg0: i32) -> (i32, i32) {
    %c0_i32 = arith.constant 0 : i32
    %c0_i32_0 = arith.constant 0 : i32
    return %c0_i32, %arg0 : i32, i32
  }
  func.func @transform_1(%arg0: i32) -> (i32, i32) {
    %c0_i32 = arith.constant 0 : i32
    %c0_i32_0 = arith.constant 0 : i32
    return %arg0, %c0_i32 : i32, i32
  }
  func.func @transform_2(%arg0: i32) -> (i32, i32) {
    %c0_i32 = arith.constant 0 : i32
    %c0_i32_0 = arith.constant 0 : i32
    %c0_i32_1 = arith.constant 0 : i32
    return %c0_i32, %c0_i32_0 : i32, i32
  }
  func.func @transform_3(%arg0: i32) -> (i32, i32) {
    %c0_i32 = arith.constant 0 : i32
    %c0_i32_0 = arith.constant 0 : i32
    return %c0_i32, %arg0 : i32, i32
  }
}

</mosaic_0001>

<sc_bundles>
// kernel: kernel.4.cloned.1.call-start
scs
__scs_entry_jumppad:
0x0: {  	(pc) =	sbr.rel $0x88, $3  }
0x1: {  	(tag) =	ssettag $0x0;
	lr =	simm.s32 $0x1  }
0x2: {  	[smem:$0x3F9F] =	sst lr;
	_ =	strace $0xD0000000  }
0x3: {  	_ = 	snop  }
0x4: {  	_ = 	snop  }
0x5: {  	_ = 	snop  }
0x6: {  	_ = 	snop  }
0x7: {  	_ = 	snop  }
__scs_overlays_trampoline_lowered:
0x8: {  	[smem:$0x3FAE] =	sst s0  }
0x9: {  	[smem:$0x3FAF] =	sst s1  }
0xa: {  	[smem:$0x3FB0] =	sst s2  }
0xb: {  	[smem:$0x3FB1] =	sst s3  }
0xc: {  	[smem:$0x3FB2] =	sst s4  }
0xd: {  	[smem:$0x3FB3] =	sst s5  }
0xe: {  	[smem:$0x3FB4] =	sst s6  }
0xf: {  	[smem:$0x3FB5] =	sst s7  }
0x10: {  	[smem:$0x3FB6] =	sst s8  }
0x11: {  	[smem:$0x3FB7] =	sst s9;
	s0 =	simm.s32 @!p0 $0x0  }
0x12: {  	s1 =	sld [smem:$0x3F9D];
	s0 =	simm.s32 @p0 $0x1  }
0x13: {  	[smem:$0x3FB8] =	sst s0;
	s0 =	simm.s32 @!p1 $0x0  }
0x14: {  	s2 =	sld [smem:$0x3F9C];
	s0 =	simm.s32 @p1 $0x1  }
0x15: {  	[smem:$0x3FB9] =	sst s0;
	s0 =	simm.s32 @!p2 $0x0  }
0x16: {  	s3 =	sld [smem:$0x3FDB];
	s0 =	simm.s32 @p2 $0x1  }
0x17: {  	s4 =	simm.s32 $0x1BF5;
	[smem:$0x3FBB] =	sst s0  }
0x18: {  	s0 =	sld [smem:$0x3F9E];
	_ =	swait.ge [sflag:s4], $0x0  }
0x19: {  	s7 =	sld [smem:$0x3F9F]  }
0x1a: {  	s8 =	sadd.s32 $0xFFFFE003, lr  }
0x1b: {  	s9 =	sadd.s32 $0xFFFFFEF7, lr;
	s5 =	simm.s32 $0xFFFFFFFF;
	p2 =	slt.u32 s8, $0xFFFFF086  }
0x1c: {  	p1 =	slt.u32 s9, $0xF7A;
	s5 =	simm.s32 @!p2 $0x0  }
0x1d: {  	s5 =	simm.s32 @p1 $0x1;
	p0 =	seq.s32 s7, s2  }
0x1e: {  	s7 =	smul.u32 @!p0 $0xF7A, s2;
	p2 =	seq.s32 @!p0 s5, $0x0  }
0x1f: {  	s9 =	smul.u32 $0xF7A, s1;
	s8 =	simm.s32 @!p0 $0x1BF5;
	p2 =	por !p2, p0  }
0x20: {  	[sflag:s8] =	ssyncset.s32 @!p0 $0xFFFFF086;
	s6 =	sadd.s32 @!p0 s3, s7;
	s7 =	simm.s32 @!p0 $0x108  }
0x21: {  	s3 =	sadd.s32 s3, s9;
	s6 =	sadd.s32 @!p0 $0x88, s6;
	s7 =	simm.s32 @p2 $0x1082  }
0x22: {  	[simem:s7], [sflag:s8] =	dma.local @!p0 [hbm:s6], $0xF7A  }
0x23: {  	s9 =	sor.u32 $0xD0000000, s2;
	s6 =	simm.s32 $0x108;
	_ =	swait.ge @!p0 [sflag:s8], $0x0  }
0x24: {  	s3 =	sadd.s32 $0x88, s3;
	s6 =	simm.s32 @!p1 $0x1082;
	[sflag:s4] =	ssyncset.s32 $0xFFFFF086  }
0x25: {  	[simem:s6], [sflag:s4] =	dma.local [hbm:s3], $0xF7A  }
0x26: {  	[smem:$0x3F9F] =	sst s1;
	(tag) =	ssettag s2;
	_ =	strace s9  }
0x27: {  	s1 =	sld [smem:$0x3FAF]  }
0x28: {  	s2 =	sld [smem:$0x3FB0]  }
0x29: {  	s4 =	sld [smem:$0x3FB2]  }
0x2a: {  	p0 =	seq.s32 s5, $0x0;
	s5 =	sld [smem:$0x3FB3]  }
0x2b: {  	s6 =	sld [smem:$0x3FB4]  }
0x2c: {  	s7 =	sld [smem:$0x3FB5]  }
0x2d: {  	s3 =	simm.s32 $0x108;
	s8 =	sld [smem:$0x3FB6]  }
0x2e: {  	s3 =	simm.s32 @!p0 $0x1082;
	s9 =	sld [smem:$0x3FB7]  }
0x2f: {  	lr =	sadd.s32 s0, s3;
	s0 =	sld [smem:$0x3FAE]  }
0x30: {  	s3 =	sld [smem:$0x3FB1]  }
0x31: {  	[smem:$0x3FBA] =	sst s10  }
0x32: {  	s10 =	sld [smem:$0x3FB8];
	_ =	sdelay $0x3  }
0x33: {  	p0 =	seq.s32 s10, $0x1;
	s10 =	sld [smem:$0x3FBA];
	_ =	sdelay $0x3  }
0x34: {  	[smem:$0x3FBA] =	sst s10  }
0x35: {  	s10 =	sld [smem:$0x3FB9];
	_ =	sdelay $0x3  }
0x36: {  	p1 =	seq.s32 s10, $0x1;
	s10 =	sld [smem:$0x3FBA];
	_ =	sdelay $0x3  }
0x37: {  	[smem:$0x3FBA] =	sst s10  }
0x38: {  	s10 =	sld [smem:$0x3FBB]  }
0x39: {  	_ = 	snop;
	(pc) =	sbr.ind lr, $3  }
0x3a: {  	_ = 	snop  }
0x3b: {  	_ = 	snop  }
0x3c: {  	p2 =	seq.s32 s10, $0x1;
	s10 =	sld [smem:$0x3FBA]  }
0x3d: {  	_ =	shalt  }
0x3e: {  	_ =	shalt  }
0x3f: {  	_ =	shalt  }
0x40: {  	_ =	shalt  }
0x41: {  	_ =	shalt  }
0x42: {  	_ =	shalt  }
0x43: {  	_ =	shalt  }
0x44: {  	_ =	shalt  }
0x45: {  	_ =	shalt  }
0x46: {  	_ =	shalt  }
0x47: {  	_ =	shalt  }
0x48: {  	_ =	shalt  }
0x49: {  	_ =	shalt  }
0x4a: {  	_ =	shalt  }
0x4b: {  	_ =	shalt  }
0x4c: {  	_ =	shalt  }
0x4d: {  	_ =	shalt  }
0x4e: {  	_ =	shalt  }
0x4f: {  	_ =	shalt  }
0x50: {  	_ =	shalt  }
0x51: {  	_ =	shalt  }
0x52: {  	_ =	shalt  }
0x53: {  	_ =	shalt  }
0x54: {  	_ =	shalt  }
0x55: {  	_ =	shalt  }
0x56: {  	_ =	shalt  }
0x57: {  	_ =	shalt  }
0x58: {  	_ =	shalt  }
0x59: {  	_ =	shalt  }
0x5a: {  	_ =	shalt  }
0x5b: {  	_ =	shalt  }
0x5c: {  	_ =	shalt  }
0x5d: {  	_ =	shalt  }
0x5e: {  	_ =	shalt  }
0x5f: {  	_ =	shalt  }
0x60: {  	_ =	shalt  }
0x61: {  	_ =	shalt  }
0x62: {  	_ =	shalt  }
0x63: {  	_ =	shalt  }
0x64: {  	_ =	shalt  }
0x65: {  	_ =	shalt  }
0x66: {  	_ =	shalt  }
0x67: {  	_ =	shalt  }
0x68: {  	_ =	shalt  }
0x69: {  	_ =	shalt  }
0x6a: {  	_ =	shalt  }
0x6b: {  	_ =	shalt  }
0x6c: {  	_ =	shalt  }
0x6d: {  	_ =	shalt  }
0x6e: {  	_ =	shalt  }
0x6f: {  	_ =	shalt  }
0x70: {  	_ =	shalt  }
0x71: {  	_ =	shalt  }
0x72: {  	_ =	shalt  }
0x73: {  	_ =	shalt  }
0x74: {  	_ =	shalt  }
0x75: {  	_ =	shalt  }
0x76: {  	_ =	shalt  }
0x77: {  	_ =	shalt  }
0x78: {  	_ =	shalt  }
0x79: {  	_ =	shalt  }
0x7a: {  	_ =	shalt  }
0x7b: {  	_ =	shalt  }
0x7c: {  	_ =	shalt  }
0x7d: {  	_ =	shalt  }
0x7e: {  	_ =	shalt  }
0x7f: {  	_ =	shalt  }
0x80: {  	_ =	shalt  }
0x81: {  	_ =	shalt  }
0x82: {  	_ =	shalt  }
0x83: {  	_ =	shalt  }
0x84: {  	_ =	shalt  }
0x85: {  	_ =	shalt  }
0x86: {  	_ =	shalt  }
0x87: {  	_ =	shalt  }
.Lfunc_end0:
.L_simem_size_0:
called_computation_lowered:
.L_overlay_start_0:
0x88: {  	s2 =	sld [smem:$0x3FD9]  }
0x89: {  	s3 =	sld [smem:$0x3FFE];
	_ =	sdelay $0x1  }
0x8a: {  	s1 =	srdreg.scid  }
0x8b: {  	s0 =	sand.u32 $0x1, s1  }
0x8c: {  	s14 =	sshll.u32 s0, $0xA;
	s2 =	sadd.s32 s3, s2  }
0x8d: {  	s2 =	sadd.s32 s2, s14  }
0x8e: {  	[smem:$0x3FC6] =	sst s2  }
0x8f: {  	_ = 	snop  }
0x90: {  	s2 =	sld [smem:$0x3FD0];
	_ =	sdelay $0x2  }
0x91: {  	s4 =	simm.s32 $0xA;
	s5 =	simm.s32 $0x10;
	s15 =	sld [smem:$0x3FC8]  }
0x92: {  	[smem:s5], [sflag:s4] =	dma.local [hbm:s2], $0x1  }
0x93: {  	_ =	swait.eq [sflag:s4], $0x1  }
0x94: {  	[sflag:s4] =	ssyncset.done $0x0  }
0x95: {  	[sflag:s4] =	ssyncadd.s32 $0xFFFFFFFF  }
0x96: {  	s16 =	sld [smem:$0x10];
	(tm) =	ssettm $0x1  }
0x97: {  	s17 =	sld [smem:$0x3FFB];
	_ =	sdelay $0x3  }
0x98: {  	_ =	strace s17  }
0x99: {  	s4 =	sld [smem:$0x3FFC];
	_ =	sdelay $0x3  }
0x9a: {  	_ =	strace s4  }
0x9b: {  	s4 =	sld [smem:$0x3FFD];
	_ =	sdelay $0x3  }
0x9c: {  	_ =	strace s4  }
0x9d: {  	_ =	strace $0x8FFFFFFF  }
0x9e: {  	s18 =	sld [smem:$0x3FDB];
	_ =	sdelay $0x1  }
0x9f: {  	s19 =	simm.s32 $_scs_section_size  }
0xa0: {  	s6 =	simm.s32 $_size__tile_overlayer_lowered;
	s7 =	simm.s32 $_tile_overlayer_lowered  }
0xa1: {  	s22 =	simm.s32 $0x1BFF;
	s21 =	sshll.u32 s7, $0x1;
	s4 =	sadd.s32 s19, s18  }
0xa2: {  	s8 =	simm.s32 $0x0;
	s20 =	sshll.u32 s6, $0x1;
	s6 =	sadd.s32 s21, s4  }
0xa3: {  	[timem:s8], [sflag:s22] =	dma.local [hbm:s6], s20  }
0xa4: {  	_ =	swait.ge [sflag:s22], s20  }
0xa5: {  	s5 =	ssub.s32 $0x0, s20;
	[sflag:s22] =	ssyncset.done $0x0  }
0xa6: {  	[sflag:s22] =	ssyncadd.s32 s5;
	_ =	sdelay $0x1  }
0xa7: {  	s23 =	simm.s32 $0x1B8B  }
0xa8: {  	_ =	swait.ge [sflag:s23], $0x1  }
0xa9: {  	[sflag:s23] =	ssyncset.done $0x0  }
0xaa: {  	s25 =	simm.s32 $0x1B8E;
	s24 =	sld [smem:$0x3FFE];
	[sflag:s23] =	ssyncadd.s32 $0xFFFFFFFF  }
0xab: {  	s26 =	simm.s32 $execute0_lowered;
	[smem:$0x3FD2] =	sst s25  }
0xac: {  	s6 =	sshll.u32 s26, $0x1;
	_ =	strace $0x80000046;
	[dreg:$0x1] =	wrdreg $0xFFFFFFFF  }
0xad: {  	s28 =	simm.s32 $_size_execute0_lowered;
	s4 =	sadd.s32 s4, s6;
	[dreg:$0x0] =	wrdreg $0x0  }
0xae: {  	s6 =	sshll.u32 s28, $0x1;
	[dreg:$0x2] =	wrdreg s4  }
0xaf: {  	[dreg:$0x3] =	wrdreg s6  }
0xb0: {  	[dreg:$0x4] =	wrdreg $0xC0  }
0xb1: {  	_ =	task [dreg:s8], $0x5FFFF  }
0xb2: {  	[dreg:$0x1] =	wrdreg $0xFFFFFFFF  }
0xb3: {  	[dreg:$0x0] =	wrdreg $0x60  }
0xb4: {  	[dreg:$0x2] =	wrdreg s24  }
0xb5: {  	[dreg:$0x3] =	wrdreg s15  }
0xb6: {  	[dreg:$0x4] =	wrdreg s16  }
0xb7: {  	[dreg:$0x5] =	wrdreg $0x9  }
0xb8: {  	_ =	task.clear_ibuf [dreg:s8], $0x6FFFF;
	_ =	strace $0x90000046  }
0xb9: {  	s29 =	simm.s32 $0x9;
	_ =	strace $0x80000048  }
0xba: {  	_ =	swait.ge [sflag:s29], $0x1  }
0xbb: {  	[sflag:s29] =	ssyncadd.s32 $0xFFFFFFFF  }
0xbc: {  	_ =	strace $0x90000048  }
0xbd: {  	_ =	sfence  }
0xbe: {  	s30 =	sld [smem:$0x0];
	_ =	sdelay $0x2  }
0xbf: {  	s31 =	sshll.u32 s1, $0xD;
	s1 =	sshrl.u32 s1, $0x2  }
0xc0: {  	s3 =	sand.u32 $0x4000, s31;
	s1 =	sadd.s32 s1, s30  }
0xc1: {  	s0 =	sor.u32 s3, s0;
	s1 =	sshll.u32 s1, $0x11  }
0xc2: {  	s0 =	sor.u32 s1, s0  }
0xc3: {  	s0 =	sadd.s32 $0x8F2B, s0  }
0xc4: {  	[sflag:s0] =	ssyncadd.remote.s32 $0x1  }
0xc5: {  	_ =	sfence.sel $0xFFFF  }
0xc6: {  	[dreg:$0x0] =	wrdreg $0xFFFFFFFF;
	(pc) =	sbr.abs _section_cstart, $3  }
0xc7: {  	[dreg:$0x1] =	wrdreg $0xFFFFFFFF  }
0xc8: {  	_ =	task.clear_ibuf [dreg:s8], $0x2FFFF;
	_ =	strace $0x9FFFFFFF  }
0xc9: {  	(tm) =	ssettm $0x7FFFFFFF  }
tec
execute0_lowered:
.L_overlay_start_1:
0x0: {  	(tag) =	ssettag $0x1  }
0x1: {  	s4 =	rddreg [dreg:$0x0]  }
0x2: {  	s1 =	rddreg [dreg:$0x1]  }
0x3: {  	s6 =	rddreg [dreg:$0x2]  }
0x4: {  	s0 =	rddreg [dreg:$0x3];
	s3 =	simm.s32 $0x0;
	s5 =	srdreg.scid  }
0x5: {  	s2 =	stileid.u32;
	s10 =	simm.s32 $0x280;
	s11 =	simm.s32 $0x300  }
0x6: {  	s12 =	simm.s32 $0x380;
	s13 =	simm.s32 $0x0;
	s5 =	sand.u32 $0x1, s5  }
0x7: {  	[smem:$0x7FF] =	sst s3;
	s8 =	sshll.u32 s2, $0x6;
	s7 =	sshll.u32 s5, $0xA  }
0x8: {  	s5 =	ssub.s32 $0x2, s5;
	_ =	strace $0x80000047;
	s7 =	sor.u32 s8, s7  }
0x9: {  	s31 =	sshrl.u32 s5, $0x1;
	s9 =	sadd.s32 s7, s4;
	s4 =	sadd.s32 $0x1200, s4  }
0xa: {  	s8 =	ssub.s32 s5, s31;
	s6 =	sadd.s32 s6, s7;
	s5 =	sadd.s32 $0xA00, s9  }
0xb: {  	v0 =	vimm.s32 $0x0;
	s7 =	smax.u32 s8, $0x1;
	s8 =	simm.s32 $0x1;
	s9 =	simm.s32 $0x200  }
.LBB2_1:
0xc: {  	[tilespmem:s3], [sflag:$0x1] =	stream.linear.gather [hbm4b:s5+s3], $0x200, $0x38;
	[tilespmem:$0x580] =	vst v63  }
0xd: {  	_ =	swait.ge [sflag:s8], $0x200  }
0xe: {  	[sflag:s8] =	ssyncset.done $0x0  }
0xf: {  	[sflag:s8] =	ssyncadd.s32 $0xFFFFFE00  }
0x10: {  	[tilespmem:s9], [sflag:$0x1] =	stream.linear.gather [hbm4b:s4+s3], $0x10, $0x38;
	[tilespmem:$0x580] =	vst v63  }
0x11: {  	_ =	swait.ge [sflag:s8], $0x10  }
0x12: {  	[sflag:s8] =	ssyncset.done $0x0  }
0x13: {  	[sflag:s8] =	ssyncadd.s32 $0xFFFFFFF0  }
0x14: {  	[tilespmem:s10], [sflag:$0x1] =	stream.linear.gather [hbm4b:s1+s3], $0xA, $0x38;
	[tilespmem:$0x580] =	vst v63  }
0x15: {  	_ =	swait.ge [sflag:s8], $0xA  }
0x16: {  	[sflag:s8] =	ssyncset.done $0x0  }
0x17: {  	[sflag:s8] =	ssyncadd.s32 $0xFFFFFFF6  }
0x18: {  	v1 =	vld [tilespmem:$0x200];
	_ =	sdelay $0x4  }
0x19: {  	(v2sf) =	vpush v1, $0x0  }
0x1a: {  	(v2sf) =	vpush v1, $0x1;
	_ =	sdelay $0xc  }
0x1b: {  	v2 =	vld [tilespmem:$0x280]  }
0x1c: {  	s14 =	spop (v2sf)  }
0x1d: {  	s15 =	spop (v2sf)  }
0x1e: {  	s14 =	ssub.f32 s15, s14;
	_ =	sdelay $0x1  }
0x1f: {  	v2 =	vmul.f32 v2, v2;
	s14 =	sadd.f32 $9.999999960e-13, s14;
	_ =	sdelay $0x1  }
0x20: {  	v2 =	vmax.f32 v2, $9.999999770e-03;
	v3 =	vmov s14  }
0x21: {  	v2 =	vmin.f32 v2, $1.000000000e+02;
	(erf) = vrcp.f32 v3  }
0x22: {  	(erf) = vrcp.f32 v2;
	_ =	sdelay $0x7  }
0x23: {  	v2 =	vpop (erf)  }
0x24: {  	v3 =	vpop (erf)  }
0x25: {  	s15 =	simm.s32 $0x0;
	[tilespmem:$0x300] =	vst v3  }
0x26: {  	v3 =	vld [tilespmem:s15+$0x0];
	_ =	sdelay $0x2  }
0x27: {  	v4 =	vbroadcast v1, $0x0;
	s14 =	simm.s32 $0x10  }
0x28: {  	v1 =	vld [tilespmem:s14+$0x0]  }
0x29: {  	v3 =	vsub.f32 v3, v4;
	_ =	sdelay $0x1  }
0x2a: {  	v3 =	vmul.f32 v3, v2;
	_ =	sdelay $0x1  }
0x2b: {  	v1 =	vsub.f32 v1, v4;
	vm0 =	vgt.f32 v3, $0.0e+00;
	vm1 =	vgt.f32 v3, $1.000000010e-01  }
0x2c: {  	vm2 =	vgt.f32 v3, $2.000000030e-01;
	v5 =	vsel vm0, $0x1, v0;
	v6 =	vsel vm1, $0x1, v0  }
0x2d: {  	vm0 =	vgt.f32 v3, $3.000000120e-01;
	v5 =	vadd.s32 v6, v5;
	v6 =	vsel vm2, $0x1, v0  }
0x2e: {  	v5 =	vadd.s32 v6, v5;
	v6 =	vsel vm0, $0x1, v0;
	vm0 =	vgt.f32 v3, $4.000000060e-01  }
0x2f: {  	v5 =	vadd.s32 v6, v5;
	v6 =	vsel vm0, $0x1, v0;
	vm0 =	vgt.f32 v3, $5.000000000e-01  }
0x30: {  	v5 =	vadd.s32 v6, v5;
	v6 =	vsel vm0, $0x1, v0;
	vm0 =	vgt.f32 v3, $6.000000240e-01  }
0x31: {  	v5 =	vadd.s32 v6, v5;
	v6 =	vsel vm0, $0x1, v0;
	vm0 =	vgt.f32 v3, $6.999999880e-01  }
0x32: {  	v5 =	vadd.s32 v6, v5;
	v6 =	vsel vm0, $0x1, v0;
	vm0 =	vgt.f32 v3, $8.000000110e-01  }
0x33: {  	s16 =	simm.s32 $0x20;
	v5 =	vadd.s32 v6, v5;
	v6 =	vsel vm0, $0x1, v0;
	vm0 =	vgt.f32 v3, $9.000000350e-01  }
0x34: {  	v7 =	vld [tilespmem:s16+$0x0];
	v5 =	vadd.s32 v6, v5;
	v6 =	vsel vm0, $0x1, v0;
	vm0 =	vgt.f32 v3, $1.000000000e+00  }
0x35: {  	v1 =	vmul.f32 v1, v2;
	v5 =	vadd.s32 v6, v5;
	v6 =	vsel vm0, $0x1, v0  }
0x36: {  	v6 =	vadd.s32 v6, v5  }
0x37: {  	vm1 =	vgt.f32 v1, $0.0e+00;
	vm2 =	vgt.f32 v1, $1.000000010e-01;
	v6 =	vmax.u32 v6, $0x1  }
0x38: {  	v8 =	vsel vm2, $0x1, v0;
	vm0 =	vgt.f32 v1, $2.000000030e-01;
	v6 =	vmin.u32 v6, $0xA  }
0x39: {  	v5 =	vsub.f32 v7, v4;
	v7 =	vsel vm1, $0x1, v0;
	v6 =	vadd.s32 $0xFFFFFFFF, v6  }
0x3a: {  	v7 =	vadd.s32 v8, v7;
	v8 =	vsel vm0, $0x1, v0;
	vm0 =	vgt.f32 v1, $3.000000120e-01  }
0x3b: {  	s17 =	simm.s32 $0xC0;
	v7 =	vadd.s32 v8, v7;
	v8 =	vsel vm0, $0x1, v0;
	vm0 =	vgt.f32 v1, $4.000000060e-01  }
.LBB2_2:
0x3c: {  	s18 =	sshra.s32 s17, $0x2;
	p0 =	sne.s32 s17, $0x7C0;
	v7 =	vadd.s32 v8, v7;
	v8 =	vsel vm0, $0x1, v0;
	vm0 =	vgt.f32 v1, $5.000000000e-01  }
0x3d: {  	v9 =	vld [tilespmem:s18+$0x0];
	v7 =	vadd.s32 v8, v7;
	v8 =	vsel vm0, $0x1, v0;
	vm0 =	vgt.f32 v1, $6.000000240e-01  }
0x3e: {  	v7 =	vadd.s32 v8, v7;
	v8 =	vsel vm0, $0x1, v0;
	vm0 =	vgt.f32 v1, $6.999999880e-01;
	v6 =	vld.idx.msk [tilespmem:v6+s11+$0x0], $0xffff  }
0x3f: {  	v7 =	vadd.s32 v8, v7;
	v8 =	vsel vm0, $0x1, v0;
	vm0 =	vgt.f32 v1, $8.000000110e-01  }
0x40: {  	v7 =	vadd.s32 v8, v7;
	v8 =	vsel vm0, $0x1, v0;
	vm0 =	vgt.f32 v1, $9.000000350e-01  }
0x41: {  	v7 =	vadd.s32 v8, v7;
	v8 =	vsel vm0, $0x1, v0;
	vm0 =	vgt.f32 v1, $1.000000000e+00  }
0x42: {  	v10 =	vmul.f32 v5, v2;
	v7 =	vadd.s32 v8, v7;
	v8 =	vsel vm0, $0x1, v0  }
0x43: {  	v5 =	vsub.f32 v9, v4;
	v7 =	vadd.s32 v8, v7  }
.Ltmp0:
0x44: {  	vm0 =	vgt.f32 v10, $2.000000030e-01;
	v8 =	vmul.f32 v3, v6;
	v3 =	vmovc v1;
	v1 =	vmovc v10;
	v7 =	vmax.u32 v7, $0x1;
	(pc) =	sbr.rel @p0 .LBB2_2-.Ltmp0, $4  }
0x45: {  	vm1 =	vgt.f32 v1, $0.0e+00;
	vm2 =	vgt.f32 v1, $1.000000010e-01;
	v6 =	vmin.u32 v7, $0xA  }
0x46: {  	v7 =	vsel vm1, $0x1, v0;
	v9 =	vsel vm2, $0x1, v0;
	v6 =	vadd.s32 $0xFFFFFFFF, v6;
	[tilespmem:s15+$0x380] =	vst v8;
	s15 =	smov.u32 s14;
	s14 =	smov.u32 s16;
	s16 =	smov.u32 s18  }
0x47: {  	v7 =	vadd.s32 v9, v7;
	v8 =	vsel vm0, $0x1, v0;
	vm0 =	vgt.f32 v1, $3.000000120e-01  }
0x48: {  	s17 =	sadd.s32 $0x40, s17;
	v7 =	vadd.s32 v8, v7;
	v8 =	vsel vm0, $0x1, v0;
	vm0 =	vgt.f32 v1, $4.000000060e-01  }
0x49: {  	v4 =	vadd.s32 v8, v7  }
0x4a: {  	v46 =	vsel vm0, $0x1, v0;
	vm13 =	vgt.f32 v1, $5.000000000e-01;
	vm14 =	vgt.f32 v1, $6.000000240e-01  }
0x4b: {  	vm15 =	vgt.f32 v1, $6.999999880e-01;
	vm4 =	vgt.f32 v1, $8.000000110e-01;
	vm5 =	vgt.f32 v1, $9.000000350e-01  }
0x4c: {  	vm6 =	vgt.f32 v1, $1.000000000e+00;
	v2 =	vmul.f32 v5, v2;
	v4 =	vadd.s32 v46, v4  }
0x4d: {  	v47 =	vsel vm13, $0x1, v0;
	v48 =	vsel vm14, $0x1, v0;
	v49 =	vsel vm15, $0x1, v0  }
0x4e: {  	v50 =	vsel vm4, $0x1, v0;
	v51 =	vsel vm5, $0x1, v0;
	v52 =	vsel vm6, $0x1, v0  }
0x4f: {  	v4 =	vadd.s32 v47, v4;
	vm7 =	vgt.f32 v2, $2.000000030e-01;
	vm1 =	vgt.f32 v2, $0.0e+00  }
0x50: {  	vm2 =	vgt.f32 v2, $1.000000010e-01;
	vm8 =	vgt.f32 v2, $3.000000120e-01;
	vm9 =	vgt.f32 v2, $4.000000060e-01  }
0x51: {  	vm10 =	vgt.f32 v2, $5.000000000e-01;
	vm11 =	vgt.f32 v2, $6.000000240e-01;
	v4 =	vadd.s32 v48, v4  }
0x52: {  	vm12 =	vgt.f32 v2, $6.999999880e-01;
	vm13 =	vgt.f32 v2, $8.000000110e-01;
	v4 =	vadd.s32 v49, v4  }
0x53: {  	v53 =	vsel vm1, $0x1, v0;
	v54 =	vsel vm2, $0x1, v0;
	v4 =	vadd.s32 v50, v4  }
0x54: {  	v55 =	vsel vm7, $0x1, v0;
	v5 =	vadd.s32 v54, v53;
	v4 =	vadd.s32 v51, v4  }
0x55: {  	v6 =	vld.idx.msk [tilespmem:v6+s11+$0x0], $0xffff;
	v56 =	vsel vm8, $0x1, v0;
	v5 =	vadd.s32 v55, v5;
	v4 =	vadd.s32 v52, v4  }
0x56: {  	v57 =	vsel vm9, $0x1, v0;
	v5 =	vadd.s32 v56, v5;
	v4 =	vmax.u32 v4, $0x1  }
0x57: {  	v58 =	vsel vm10, $0x1, v0;
	v5 =	vadd.s32 v57, v5;
	v4 =	vmin.u32 v4, $0xA  }
0x58: {  	v59 =	vsel vm11, $0x1, v0;
	v5 =	vadd.s32 v58, v5;
	v4 =	vadd.s32 $0xFFFFFFFF, v4  }
0x59: {  	vm14 =	vgt.f32 v2, $9.000000350e-01;
	v60 =	vsel vm12, $0x1, v0;
	v5 =	vadd.s32 v59, v5  }
0x5a: {  	v61 =	vsel vm13, $0x1, v0;
	v3 =	vmul.f32 v3, v6;
	v5 =	vadd.s32 v60, v5  }
0x5b: {  	vm15 =	vgt.f32 v2, $1.000000000e+00;
	v62 =	vsel vm14, $0x1, v0;
	v5 =	vadd.s32 v61, v5  }
0x5c: {  	v63 =	vsel vm15, $0x1, v0;
	[tilespmem:s15+$0x380] =	vst v3;
	v3 =	vadd.s32 v62, v5  }
0x5d: {  	v3 =	vadd.s32 v63, v3;
	v4 =	vld.idx.msk [tilespmem:v4+s11+$0x0], $0xffff  }
0x5e: {  	v3 =	vmax.u32 v3, $0x1  }
0x5f: {  	v3 =	vmin.u32 v3, $0xA  }
0x60: {  	v3 =	vadd.s32 $0xFFFFFFFF, v3;
	_ =	sdelay $0x1  }
0x61: {  	v1 =	vmul.f32 v1, v4;
	_ =	sdelay $0x1  }
0x62: {  	[tilespmem:s14+$0x380] =	vst v1  }
0x63: {  	v1 =	vld.idx.msk [tilespmem:v3+s11+$0x0], $0xffff;
	_ =	sdelay $0x4  }
0x64: {  	s13 =	sadd.s32 $0x1, s13;
	v1 =	vmul.f32 v2, v1  }
0x65: {  	p0 =	sne.s32 s13, s7  }
.Ltmp1:
0x66: {  	[tilespmem:s16+$0x380] =	vst v1;
	(pc) =	sbr.rel @p0 .LBB2_1-.Ltmp1, $4  }
0x67: {  	[hbm4b:s6+s3] =	stream.linear.scatter [tilespmem:s12], [sflag:$0x1], $0x200, $0x38;
	[tilespmem:$0x580] =	vst v63  }
0x68: {  	_ =	swait.ge [sflag:s8], $0x200  }
0x69: {  	[sflag:s8] =	ssyncset.done $0x0  }
0x6a: {  	[sflag:s8] =	ssyncadd.s32 $0xFFFFFE00  }
0x6b: {  	_ =	sfence.sel $0x180000  }
0x6c: {  	[bflag:$0x0] =	sbarrier.arrive $0xFFFF  }
0x6d: {  	p0 =	sne.s32 s2, $0x0;
	_ =	strace $0x90000047  }
0x6e: {  	s0 =	sadd.s32 @!p0 $0x100000, s0;
	[bflag:$0x2] =	sbarrier.arrive $0xFFFF  }
0x6f: {  	[sflag:s0] =	ssyncadd.tile.s32 @!p0 $0x1;
	_ =	shalt  }
.Lfunc_end2:
_tile_overlayer_lowered:
.L_overlay_start_2:
0x70: {  	(tag) =	ssettag $0x2  }
0x71: {  	s0 =	rddreg [dreg:$0x0];
	s2 =	stileid.u32  }
0x72: {  	s1 =	rddreg [dreg:$0x1];
	p0 =	sne.s32 s2, $0x0  }
0x73: {  	s3 =	rddreg [dreg:$0x2];
	[bflag:$0x3] =	sbarrier.arrive $0xFFFF;
	s2 =	simm.s32 @!p0 $0x1C01  }
0x74: {  	[timem:s3], [sflag:s2] =	dma.local @!p0 [hbm:s0], s1  }
0x75: {  	s0 =	simm.s32 @!p0 $0x1  }
0x76: {  	_ =	swait.ge @!p0 [sflag:s0], s1  }
0x77: {  	s1 =	ssub.s32 @!p0 $0x0, s1;
	[sflag:s0] =	ssyncset.done @!p0 $0x0  }
0x78: {  	[sflag:s0] =	ssyncadd.s32 @!p0 s1  }
0x79: {  	[bflag:$0x3] =	sbarrier.arrive $0xFFFF  }
0x7a: {  	_ =	shalt  }

</sc_bundles>
